<compile_context>
chip_gen: v7x
topology: tpu7x:2x2x1
jax: 0.10.2.dev20260603
libtpu: 0.0.44.dev20260713+nightly
codegen_flags: <defaults>
</compile_context>

<pallas_src>
import jax
import jax.numpy as jnp
from jax import lax
from jax.experimental import pallas as pl
from jax.experimental.pallas import tpu as pltpu
from jax.experimental.pallas import tpu_sc as plsc

_SHAPE = (64, 8192)
_TABLE = _SHAPE[1]

_info = plsc.get_sparse_core_info()
_NC, _NS, _L = _info.num_cores, _info.num_subcores, _info.num_lanes
_NW = _NC * _NS
_BR, _BC = 8, 2048
_CG = _SHAPE[1] // _BC
_RVECS = _BC // _L


def _gather_body(x_hbm, idx_hbm, out_hbm, table_v, idx_v, out_v, sem):
    wid = lax.axis_index("s") * _NC + lax.axis_index("c")
    r0 = (wid // _CG) * _BR
    c0 = (wid % _CG) * _BC
    table_cp = pltpu.async_copy(x_hbm, table_v, sem)
    idx_cp = pltpu.async_copy(
        idx_hbm.at[pl.ds(r0, _BR), pl.ds(c0, _BC)], idx_v, sem)
    table_cp.wait()
    idx_cp.wait()
    _HC = _BC // 2
    _HV = _HC // _L

    @plsc.parallel_loop(0, _BR * _HV, unroll=8)
    def step_lo(i):
        r = i // _HV
        off = (i % _HV) * _L
        iv = idx_v[r, pl.ds(off, _L)]
        out_v[r, pl.ds(off, _L)] = plsc.load_gather(table_v, [iv])

    out_lo = pltpu.async_copy(
        out_v.at[:, pl.ds(0, _HC)],
        out_hbm.at[pl.ds(r0, _BR), pl.ds(c0, _HC)], sem)

    @plsc.parallel_loop(0, _BR * _HV, unroll=8)
    def step_hi(i):
        r = i // _HV
        off = _HC + (i % _HV) * _L
        iv = idx_v[r, pl.ds(off, _L)]
        out_v[r, pl.ds(off, _L)] = plsc.load_gather(table_v, [iv])

    out_hi = pltpu.async_copy(
        out_v.at[:, pl.ds(_HC, _HC)],
        out_hbm.at[pl.ds(r0, _BR), pl.ds(c0 + _HC, _HC)], sem)
    out_lo.wait()
    out_hi.wait()


_gather = pl.kernel(
    _gather_body,
    out_type=jax.ShapeDtypeStruct(_SHAPE, jnp.float32),
    mesh=plsc.VectorSubcoreMesh(core_axis_name="c", subcore_axis_name="s"),
    scratch_types=[
        pltpu.VMEM((_TABLE,), jnp.float32),
        pltpu.VMEM((_BR, _BC), jnp.int32),
        pltpu.VMEM((_BR, _BC), jnp.float32),
        pltpu.SemaphoreType.DMA,
    ],
    compiler_params=pltpu.CompilerParams(
        needs_layout_passes=False, use_tc_tiling_on_sc=True),
)


def kernel(x, idx_tensor):
    return _gather(x, idx_tensor.astype(jnp.int32))

# --- scband reference (transcript-rebuilt; emitter-appended) ---
"""Pipeline reference for scband-equivariant-parametrization-87591563035234 (READ-ONLY COPY).

The authoritative reference and input builder live on the scoring server;
editing this copy changes nothing except your own understanding.
"""

import jax, jax.numpy as jnp
import numpy as np
from itertools import product

SHAPE = (64, 8192)
GEN = [(i + 1) % 64 for i in range(64)]
ACTIONS = [[np.array(GEN, dtype=np.int64)], None]


def create_colored_tensor(shape, actions):
    # Faithful port of the original coloring routine. The original code references
    # an undefined global `num_generators`; we define it as the number of
    # generators supplied per (non-None) axis action, which is the intended meaning.
    num_generators = max((len(a) for a in actions if a is not None), default=0)
    colors = np.full(shape, -1, dtype=np.int64)
    color_idx = 0
    for initial_pos in product(*(range(s) for s in shape)):
        if colors[initial_pos] == -1:
            q = [initial_pos]
            colors[initial_pos] = color_idx
            head = 0
            while head < len(q):
                current_pos = q[head]
                head += 1
                for k in range(num_generators):
                    next_pos_list = list(current_pos)
                    for dim, action in enumerate(actions):
                        if action is not None:
                            next_pos_list[dim] = int(action[k][current_pos[dim]])
                    next_pos = tuple(next_pos_list)
                    if colors[next_pos] == -1:
                        colors[next_pos] = color_idx
                        q.append(next_pos)
            color_idx += 1
    return colors, color_idx


def setup_inputs(seed: int = 0) -> dict:
    key = jax.random.key(seed)
    idx_np, num_colors = create_colored_tensor(SHAPE, ACTIONS)
    assert num_colors == 8192
    x = jax.random.normal(key, (num_colors,), dtype=jnp.float32)
    idx_tensor = jnp.asarray(idx_np, dtype=jnp.int64)
    return {"x": x, "idx_tensor": idx_tensor}


def reference(x, idx_tensor):
    # forward: full_tensor = x[self.idx_tensor]; return full_tensor.view(self.shape)
    full_tensor = jnp.take(x, idx_tensor)
    return full_tensor.reshape(SHAPE)

if __name__ == "__main__":
    import jax
    _d = setup_inputs()
    print(jax.jit(kernel)(*tuple(_d.values())))

</pallas_src>

<mosaic_0001>
#map = affine_map<(d0, d1) -> (0)>
#map1 = affine_map<(d0, d1) -> (0, 0)>
module attributes {stable_mosaic.version = 14 : i64} {
  func.func @_gather_body(%arg0: i32, %arg1: i32, %arg2: memref<8192xf32, #tpu.memory_space<hbm>>, %arg3: memref<64x8192xi32, #tpu.memory_space<hbm>>, %arg4: memref<64x8192xf32, #tpu.memory_space<hbm>>, %arg5: memref<8192xf32, #tpu.memory_space<vmem>>, %arg6: memref<8x2048xi32, #tpu.memory_space<vmem>>, %arg7: memref<8x2048xf32, #tpu.memory_space<vmem>>, %arg8: memref<!tpu.dma_semaphore, #tpu.memory_space<semaphore_mem>>) attributes {dimension_semantics = [#tpu.dimension_semantics<core_parallel>, #tpu.dimension_semantics<subcore_parallel>], iteration_bounds = array<i64: 2, 16>, scalar_prefetch = 0 : i64, scratch_operands = 4 : i64, tpu.core_type = #tpu.core_type<sc_vector_subcore>, window_params = [{transform_indices = #map}, {transform_indices = #map1}, {transform_indices = #map1}]} {
    %mul3A = arith.constant 2 : i32
    %mul3A_0 = arith.muli %arg1, %mul3A : i32
    %add3A = arith.addi %mul3A_0, %arg0 : i32
    %jit3A = arith.constant 4 : i32
    %div3A = arith.divsi %add3A, %jit3A : i32
    %sign3A = arith.constant 0 : i32
    %sign3A_1 = arith.cmpi sgt, %add3A, %sign3A : i32
    %sign3A_2 = arith.extui %sign3A_1 : i1 to i32
    %sign3A_3 = arith.constant 0 : i32
    %sign3A_4 = arith.cmpi slt, %add3A, %sign3A_3 : i32
    %sign3A_5 = arith.extui %sign3A_4 : i1 to i32
    %sign3A_6 = arith.subi %sign3A_2, %sign3A_5 : i32
    %sign3A_7 = arith.constant 0 : i32
    %sign3A_8 = arith.cmpi sgt, %jit3A, %sign3A_7 : i32
    %sign3A_9 = arith.extui %sign3A_8 : i1 to i32
    %sign3A_10 = arith.constant 0 : i32
    %sign3A_11 = arith.cmpi slt, %jit3A, %sign3A_10 : i32
    %sign3A_12 = arith.extui %sign3A_11 : i1 to i32
    %sign3A_13 = arith.subi %sign3A_9, %sign3A_12 : i32
    %ne3A = arith.cmpi ne, %sign3A_6, %sign3A_13 : i32
    %rem3A = arith.remsi %add3A, %jit3A : i32
    %ne3A_14 = arith.constant 0 : i32
    %ne3A_15 = arith.cmpi ne, %rem3A, %ne3A_14 : i32
    %and3A = arith.andi %ne3A, %ne3A_15 : i1
    %sub3A = arith.constant 1 : i32
    %sub3A_16 = arith.subi %div3A, %sub3A : i32
    %select_n3A = arith.select %and3A, %sub3A_16, %div3A : i32
    %mul3A_17 = arith.constant 8 : i32
    %mul3A_18 = arith.muli %select_n3A, %mul3A_17 : i32
    %jit3A_19 = arith.constant 4 : i32
    %eq3A = arith.constant 0 : i32
    %eq3A_20 = arith.cmpi eq, %jit3A_19, %eq3A : i32
    %jit3A_21 = arith.constant 1 : i32
    %select_n3A_22 = arith.select %eq3A_20, %jit3A_21, %jit3A_19 : i32
    %rem3A_23 = arith.remsi %add3A, %select_n3A_22 : i32
    %ne3A_24 = arith.constant 0 : i32
    %ne3A_25 = arith.cmpi ne, %rem3A_23, %ne3A_24 : i32
    %lt3A = arith.constant 0 : i32
    %lt3A_26 = arith.cmpi slt, %rem3A_23, %lt3A : i32
    %lt3A_27 = arith.constant 0 : i32
    %lt3A_28 = arith.cmpi slt, %select_n3A_22, %lt3A_27 : i32
    %ne3A_29 = arith.xori %lt3A_26, %lt3A_28 : i1
    %and3A_30 = arith.andi %ne3A_29, %ne3A_25 : i1
    %add3A_31 = arith.addi %rem3A_23, %select_n3A_22 : i32
    %select_n3A_32 = arith.select %and3A_30, %add3A_31, %rem3A_23 : i32
    %mul3A_33 = arith.constant 2048 : i32
    %mul3A_34 = arith.muli %select_n3A_32, %mul3A_33 : i32
    tpu.enqueue_dma source(%arg2 : memref<8192xf32, #tpu.memory_space<hbm>>) target(%arg5 : memref<8192xf32, #tpu.memory_space<vmem>>) target_semaphore(%arg8 : memref<!tpu.dma_semaphore, #tpu.memory_space<semaphore_mem>>)
    %dma_start3A = tpu.memref_slice %arg3[%mul3A_18, %mul3A_34] : memref<64x8192xi32, #tpu.memory_space<hbm>> -> memref<8x2048xi32, #tpu.memory_space<hbm>>
    %dma_start3A_35 = tpu.memref_slice %arg3[%mul3A_18, %mul3A_34] : memref<64x8192xi32, #tpu.memory_space<hbm>> -> memref<8x2048xi32, #tpu.memory_space<hbm>>
    tpu.enqueue_dma source(%dma_start3A_35 : memref<8x2048xi32, #tpu.memory_space<hbm>>) target(%arg6 : memref<8x2048xi32, #tpu.memory_space<vmem>>) target_semaphore(%arg8 : memref<!tpu.dma_semaphore, #tpu.memory_space<semaphore_mem>>)
    tpu.wait_dma2 semaphore(%arg8 : memref<!tpu.dma_semaphore, #tpu.memory_space<semaphore_mem>>) src(%arg2 : memref<8192xf32, #tpu.memory_space<hbm>>) dst(%arg5 : memref<8192xf32, #tpu.memory_space<vmem>>)
    %dma_wait3A = tpu.memref_slice %arg3[%mul3A_18, %mul3A_34] : memref<64x8192xi32, #tpu.memory_space<hbm>> -> memref<8x2048xi32, #tpu.memory_space<hbm>>
    %dma_wait3A_36 = tpu.memref_slice %arg3[%mul3A_18, %mul3A_34] : memref<64x8192xi32, #tpu.memory_space<hbm>> -> memref<8x2048xi32, #tpu.memory_space<hbm>>
    tpu.wait_dma2 semaphore(%arg8 : memref<!tpu.dma_semaphore, #tpu.memory_space<semaphore_mem>>) src(%dma_wait3A_36 : memref<8x2048xi32, #tpu.memory_space<hbm>>) dst(%arg6 : memref<8x2048xi32, #tpu.memory_space<vmem>>)
    %parallel_loop3A = arith.constant 0 : i32
    %parallel_loop3A_37 = arith.constant 512 : i32
    %parallel_loop3A_38 = arith.constant 1 : i32
    scf.for %parallel_loop3A_76 = %parallel_loop3A to %parallel_loop3A_37 step %parallel_loop3A_38  : i32 {
      %parallel_loop3A_77 = arith.constant 64 : i32
      %parallel_loop3A_78 = arith.divsi %parallel_loop3A_76, %parallel_loop3A_77 : i32
      %parallel_loop3A_79 = arith.constant 0 : i32
      %parallel_loop3A_80 = arith.cmpi sgt, %parallel_loop3A_76, %parallel_loop3A_79 : i32
      %parallel_loop3A_81 = arith.extui %parallel_loop3A_80 : i1 to i32
      %parallel_loop3A_82 = arith.constant 0 : i32
      %parallel_loop3A_83 = arith.cmpi slt, %parallel_loop3A_76, %parallel_loop3A_82 : i32
      %parallel_loop3A_84 = arith.extui %parallel_loop3A_83 : i1 to i32
      %parallel_loop3A_85 = arith.subi %parallel_loop3A_81, %parallel_loop3A_84 : i32
      %parallel_loop3A_86 = arith.constant 0 : i32
      %parallel_loop3A_87 = arith.cmpi sgt, %parallel_loop3A_77, %parallel_loop3A_86 : i32
      %parallel_loop3A_88 = arith.extui %parallel_loop3A_87 : i1 to i32
      %parallel_loop3A_89 = arith.constant 0 : i32
      %parallel_loop3A_90 = arith.cmpi slt, %parallel_loop3A_77, %parallel_loop3A_89 : i32
      %parallel_loop3A_91 = arith.extui %parallel_loop3A_90 : i1 to i32
      %parallel_loop3A_92 = arith.subi %parallel_loop3A_88, %parallel_loop3A_91 : i32
      %parallel_loop3A_93 = arith.cmpi ne, %parallel_loop3A_85, %parallel_loop3A_92 : i32
      %parallel_loop3A_94 = arith.remsi %parallel_loop3A_76, %parallel_loop3A_77 : i32
      %parallel_loop3A_95 = arith.constant 0 : i32
      %parallel_loop3A_96 = arith.cmpi ne, %parallel_loop3A_94, %parallel_loop3A_95 : i32
      %parallel_loop3A_97 = arith.andi %parallel_loop3A_93, %parallel_loop3A_96 : i1
      %parallel_loop3A_98 = arith.constant 1 : i32
      %parallel_loop3A_99 = arith.subi %parallel_loop3A_78, %parallel_loop3A_98 : i32
      %parallel_loop3A_100 = arith.select %parallel_loop3A_97, %parallel_loop3A_99, %parallel_loop3A_78 : i32
      %parallel_loop3A_101 = arith.constant 64 : i32
      %parallel_loop3A_102 = arith.constant 0 : i32
      %parallel_loop3A_103 = arith.cmpi eq, %parallel_loop3A_101, %parallel_loop3A_102 : i32
      %parallel_loop3A_104 = arith.constant 1 : i32
      %parallel_loop3A_105 = arith.select %parallel_loop3A_103, %parallel_loop3A_104, %parallel_loop3A_101 : i32
      %parallel_loop3A_106 = arith.remsi %parallel_loop3A_76, %parallel_loop3A_105 : i32
      %parallel_loop3A_107 = arith.constant 0 : i32
      %parallel_loop3A_108 = arith.cmpi ne, %parallel_loop3A_106, %parallel_loop3A_107 : i32
      %parallel_loop3A_109 = arith.constant 0 : i32
      %parallel_loop3A_110 = arith.cmpi slt, %parallel_loop3A_106, %parallel_loop3A_109 : i32
      %parallel_loop3A_111 = arith.constant 0 : i32
      %parallel_loop3A_112 = arith.cmpi slt, %parallel_loop3A_105, %parallel_loop3A_111 : i32
      %parallel_loop3A_113 = arith.xori %parallel_loop3A_110, %parallel_loop3A_112 : i1
      %parallel_loop3A_114 = arith.andi %parallel_loop3A_113, %parallel_loop3A_108 : i1
      %parallel_loop3A_115 = arith.addi %parallel_loop3A_106, %parallel_loop3A_105 : i32
      %parallel_loop3A_116 = arith.select %parallel_loop3A_114, %parallel_loop3A_115, %parallel_loop3A_106 : i32
      %parallel_loop3A_117 = arith.constant 16 : i32
      %parallel_loop3A_118 = arith.muli %parallel_loop3A_116, %parallel_loop3A_117 : i32
      %parallel_loop3A_119 = arith.index_cast %parallel_loop3A_100 : i32 to index
      %parallel_loop3A_120 = arith.index_cast %parallel_loop3A_118 : i32 to index
      %parallel_loop3A_121 = tpu.vector_load %arg6[%parallel_loop3A_119, %parallel_loop3A_120] {strides = array<i32>} : memref<8x2048xi32, #tpu.memory_space<vmem>>, vector<16xi32>,
      %parallel_loop3A_122 = tpu.vector_load_idx %arg5[%parallel_loop3A_121] : memref<8192xf32, #tpu.memory_space<vmem>>[vector<16xi32>], vector<16xf32>,
      %parallel_loop3A_123 = arith.index_cast %parallel_loop3A_100 : i32 to index
      %parallel_loop3A_124 = arith.index_cast %parallel_loop3A_118 : i32 to index
      %parallel_loop3A_125 = tpu.vector_load %arg7[%parallel_loop3A_123, %parallel_loop3A_124] {strides = array<i32>} : memref<8x2048xf32, #tpu.memory_space<vmem>>, vector<16xf32>,
      tpu.vector_store %arg7[%parallel_loop3A_123, %parallel_loop3A_124], %parallel_loop3A_122 {strides = array<i32>} : memref<8x2048xf32, #tpu.memory_space<vmem>>, vector<16xf32>,
    } {sc.loop_unroll_factor = 8 : i64, sc.parallel_access}
    %dma_start3A_39 = arith.constant 0 : i32
    %dma_start3A_40 = arith.constant 0 : i32
    %dma_start3A_41 = tpu.memref_slice %arg7[%dma_start3A_39, %dma_start3A_40] : memref<8x2048xf32, #tpu.memory_space<vmem>> -> memref<8x1024xf32, #tpu.memory_space<vmem>>
    %dma_start3A_42 = tpu.memref_slice %arg4[%mul3A_18, %mul3A_34] : memref<64x8192xf32, #tpu.memory_space<hbm>> -> memref<8x1024xf32, #tpu.memory_space<hbm>>
    %dma_start3A_43 = tpu.memref_slice %arg4[%mul3A_18, %mul3A_34] : memref<64x8192xf32, #tpu.memory_space<hbm>> -> memref<8x1024xf32, #tpu.memory_space<hbm>>
    %dma_start3A_44 = arith.constant 0 : i32
    %dma_start3A_45 = arith.constant 0 : i32
    %dma_start3A_46 = tpu.memref_slice %arg7[%dma_start3A_44, %dma_start3A_45] : memref<8x2048xf32, #tpu.memory_space<vmem>> -> memref<8x1024xf32, #tpu.memory_space<vmem>>
    tpu.enqueue_dma source(%dma_start3A_46 : memref<8x1024xf32, #tpu.memory_space<vmem>>) target(%dma_start3A_43 : memref<8x1024xf32, #tpu.memory_space<hbm>>) target_semaphore(%arg8 : memref<!tpu.dma_semaphore, #tpu.memory_space<semaphore_mem>>)
    %parallel_loop3A_47 = arith.constant 0 : i32
    %parallel_loop3A_48 = arith.constant 512 : i32
    %parallel_loop3A_49 = arith.constant 1 : i32
    scf.for %parallel_loop3A_76 = %parallel_loop3A_47 to %parallel_loop3A_48 step %parallel_loop3A_49  : i32 {
      %parallel_loop3A_77 = arith.constant 64 : i32
      %parallel_loop3A_78 = arith.divsi %parallel_loop3A_76, %parallel_loop3A_77 : i32
      %parallel_loop3A_79 = arith.constant 0 : i32
      %parallel_loop3A_80 = arith.cmpi sgt, %parallel_loop3A_76, %parallel_loop3A_79 : i32
      %parallel_loop3A_81 = arith.extui %parallel_loop3A_80 : i1 to i32
      %parallel_loop3A_82 = arith.constant 0 : i32
      %parallel_loop3A_83 = arith.cmpi slt, %parallel_loop3A_76, %parallel_loop3A_82 : i32
      %parallel_loop3A_84 = arith.extui %parallel_loop3A_83 : i1 to i32
      %parallel_loop3A_85 = arith.subi %parallel_loop3A_81, %parallel_loop3A_84 : i32
      %parallel_loop3A_86 = arith.constant 0 : i32
      %parallel_loop3A_87 = arith.cmpi sgt, %parallel_loop3A_77, %parallel_loop3A_86 : i32
      %parallel_loop3A_88 = arith.extui %parallel_loop3A_87 : i1 to i32
      %parallel_loop3A_89 = arith.constant 0 : i32
      %parallel_loop3A_90 = arith.cmpi slt, %parallel_loop3A_77, %parallel_loop3A_89 : i32
      %parallel_loop3A_91 = arith.extui %parallel_loop3A_90 : i1 to i32
      %parallel_loop3A_92 = arith.subi %parallel_loop3A_88, %parallel_loop3A_91 : i32
      %parallel_loop3A_93 = arith.cmpi ne, %parallel_loop3A_85, %parallel_loop3A_92 : i32
      %parallel_loop3A_94 = arith.remsi %parallel_loop3A_76, %parallel_loop3A_77 : i32
      %parallel_loop3A_95 = arith.constant 0 : i32
      %parallel_loop3A_96 = arith.cmpi ne, %parallel_loop3A_94, %parallel_loop3A_95 : i32
      %parallel_loop3A_97 = arith.andi %parallel_loop3A_93, %parallel_loop3A_96 : i1
      %parallel_loop3A_98 = arith.constant 1 : i32
      %parallel_loop3A_99 = arith.subi %parallel_loop3A_78, %parallel_loop3A_98 : i32
      %parallel_loop3A_100 = arith.select %parallel_loop3A_97, %parallel_loop3A_99, %parallel_loop3A_78 : i32
      %parallel_loop3A_101 = arith.constant 64 : i32
      %parallel_loop3A_102 = arith.constant 0 : i32
      %parallel_loop3A_103 = arith.cmpi eq, %parallel_loop3A_101, %parallel_loop3A_102 : i32
      %parallel_loop3A_104 = arith.constant 1 : i32
      %parallel_loop3A_105 = arith.select %parallel_loop3A_103, %parallel_loop3A_104, %parallel_loop3A_101 : i32
      %parallel_loop3A_106 = arith.remsi %parallel_loop3A_76, %parallel_loop3A_105 : i32
      %parallel_loop3A_107 = arith.constant 0 : i32
      %parallel_loop3A_108 = arith.cmpi ne, %parallel_loop3A_106, %parallel_loop3A_107 : i32
      %parallel_loop3A_109 = arith.constant 0 : i32
      %parallel_loop3A_110 = arith.cmpi slt, %parallel_loop3A_106, %parallel_loop3A_109 : i32
      %parallel_loop3A_111 = arith.constant 0 : i32
      %parallel_loop3A_112 = arith.cmpi slt, %parallel_loop3A_105, %parallel_loop3A_111 : i32
      %parallel_loop3A_113 = arith.xori %parallel_loop3A_110, %parallel_loop3A_112 : i1
      %parallel_loop3A_114 = arith.andi %parallel_loop3A_113, %parallel_loop3A_108 : i1
      %parallel_loop3A_115 = arith.addi %parallel_loop3A_106, %parallel_loop3A_105 : i32
      %parallel_loop3A_116 = arith.select %parallel_loop3A_114, %parallel_loop3A_115, %parallel_loop3A_106 : i32
      %parallel_loop3A_117 = arith.constant 16 : i32
      %parallel_loop3A_118 = arith.muli %parallel_loop3A_116, %parallel_loop3A_117 : i32
      %parallel_loop3A_119 = arith.constant 1024 : i32
      %parallel_loop3A_120 = arith.addi %parallel_loop3A_119, %parallel_loop3A_118 : i32
      %parallel_loop3A_121 = arith.index_cast %parallel_loop3A_100 : i32 to index
      %parallel_loop3A_122 = arith.index_cast %parallel_loop3A_120 : i32 to index
      %parallel_loop3A_123 = tpu.vector_load %arg6[%parallel_loop3A_121, %parallel_loop3A_122] {strides = array<i32>} : memref<8x2048xi32, #tpu.memory_space<vmem>>, vector<16xi32>,
      %parallel_loop3A_124 = tpu.vector_load_idx %arg5[%parallel_loop3A_123] : memref<8192xf32, #tpu.memory_space<vmem>>[vector<16xi32>], vector<16xf32>,
      %parallel_loop3A_125 = arith.index_cast %parallel_loop3A_100 : i32 to index
      %parallel_loop3A_126 = arith.index_cast %parallel_loop3A_120 : i32 to index
      %parallel_loop3A_127 = tpu.vector_load %arg7[%parallel_loop3A_125, %parallel_loop3A_126] {strides = array<i32>} : memref<8x2048xf32, #tpu.memory_space<vmem>>, vector<16xf32>,
      tpu.vector_store %arg7[%parallel_loop3A_125, %parallel_loop3A_126], %parallel_loop3A_124 {strides = array<i32>} : memref<8x2048xf32, #tpu.memory_space<vmem>>, vector<16xf32>,
    } {sc.loop_unroll_factor = 8 : i64, sc.parallel_access}
    %add3A_50 = arith.constant 1024 : i32
    %add3A_51 = arith.addi %mul3A_34, %add3A_50 : i32
    %dma_start3A_52 = arith.constant 0 : i32
    %dma_start3A_53 = arith.constant 1024 : i32
    %dma_start3A_54 = tpu.memref_slice %arg7[%dma_start3A_52, %dma_start3A_53] : memref<8x2048xf32, #tpu.memory_space<vmem>> -> memref<8x1024xf32, #tpu.memory_space<vmem>>
    %dma_start3A_55 = tpu.memref_slice %arg4[%mul3A_18, %add3A_51] : memref<64x8192xf32, #tpu.memory_space<hbm>> -> memref<8x1024xf32, #tpu.memory_space<hbm>>
    %dma_start3A_56 = tpu.memref_slice %arg4[%mul3A_18, %add3A_51] : memref<64x8192xf32, #tpu.memory_space<hbm>> -> memref<8x1024xf32, #tpu.memory_space<hbm>>
    %dma_start3A_57 = arith.constant 0 : i32
    %dma_start3A_58 = arith.constant 1024 : i32
    %dma_start3A_59 = tpu.memref_slice %arg7[%dma_start3A_57, %dma_start3A_58] : memref<8x2048xf32, #tpu.memory_space<vmem>> -> memref<8x1024xf32, #tpu.memory_space<vmem>>
    tpu.enqueue_dma source(%dma_start3A_59 : memref<8x1024xf32, #tpu.memory_space<vmem>>) target(%dma_start3A_56 : memref<8x1024xf32, #tpu.memory_space<hbm>>) target_semaphore(%arg8 : memref<!tpu.dma_semaphore, #tpu.memory_space<semaphore_mem>>)
    %dma_wait3A_60 = arith.constant 0 : i32
    %dma_wait3A_61 = arith.constant 0 : i32
    %dma_wait3A_62 = tpu.memref_slice %arg7[%dma_wait3A_60, %dma_wait3A_61] : memref<8x2048xf32, #tpu.memory_space<vmem>> -> memref<8x1024xf32, #tpu.memory_space<vmem>>
    %dma_wait3A_63 = tpu.memref_slice %arg4[%mul3A_18, %mul3A_34] : memref<64x8192xf32, #tpu.memory_space<hbm>> -> memref<8x1024xf32, #tpu.memory_space<hbm>>
    %dma_wait3A_64 = tpu.memref_slice %arg4[%mul3A_18, %mul3A_34] : memref<64x8192xf32, #tpu.memory_space<hbm>> -> memref<8x1024xf32, #tpu.memory_space<hbm>>
    %dma_wait3A_65 = arith.constant 0 : i32
    %dma_wait3A_66 = arith.constant 0 : i32
    %dma_wait3A_67 = tpu.memref_slice %arg7[%dma_wait3A_65, %dma_wait3A_66] : memref<8x2048xf32, #tpu.memory_space<vmem>> -> memref<8x1024xf32, #tpu.memory_space<vmem>>
    tpu.wait_dma2 semaphore(%arg8 : memref<!tpu.dma_semaphore, #tpu.memory_space<semaphore_mem>>) src(%dma_wait3A_67 : memref<8x1024xf32, #tpu.memory_space<vmem>>) dst(%dma_wait3A_64 : memref<8x1024xf32, #tpu.memory_space<hbm>>)
    %dma_wait3A_68 = arith.constant 0 : i32
    %dma_wait3A_69 = arith.constant 1024 : i32
    %dma_wait3A_70 = tpu.memref_slice %arg7[%dma_wait3A_68, %dma_wait3A_69] : memref<8x2048xf32, #tpu.memory_space<vmem>> -> memref<8x1024xf32, #tpu.memory_space<vmem>>
    %dma_wait3A_71 = tpu.memref_slice %arg4[%mul3A_18, %add3A_51] : memref<64x8192xf32, #tpu.memory_space<hbm>> -> memref<8x1024xf32, #tpu.memory_space<hbm>>
    %dma_wait3A_72 = tpu.memref_slice %arg4[%mul3A_18, %add3A_51] : memref<64x8192xf32, #tpu.memory_space<hbm>> -> memref<8x1024xf32, #tpu.memory_space<hbm>>
    %dma_wait3A_73 = arith.constant 0 : i32
    %dma_wait3A_74 = arith.constant 1024 : i32
    %dma_wait3A_75 = tpu.memref_slice %arg7[%dma_wait3A_73, %dma_wait3A_74] : memref<8x2048xf32, #tpu.memory_space<vmem>> -> memref<8x1024xf32, #tpu.memory_space<vmem>>
    tpu.wait_dma2 semaphore(%arg8 : memref<!tpu.dma_semaphore, #tpu.memory_space<semaphore_mem>>) src(%dma_wait3A_75 : memref<8x1024xf32, #tpu.memory_space<vmem>>) dst(%dma_wait3A_72 : memref<8x1024xf32, #tpu.memory_space<hbm>>)
    return
  }
}

</mosaic_0001>

<sc_bundles>
// kernel: kernel.3.cloned.1.call-start
scs
__scs_entry_jumppad:
0x0: {  	(pc) =	sbr.rel $0x88, $3  }
0x1: {  	(tag) =	ssettag $0x0;
	lr =	simm.s32 $0x1  }
0x2: {  	[smem:$0x3F9F] =	sst lr;
	_ =	strace $0xD0000000  }
0x3: {  	_ = 	snop  }
0x4: {  	_ = 	snop  }
0x5: {  	_ = 	snop  }
0x6: {  	_ = 	snop  }
0x7: {  	_ = 	snop  }
__scs_overlays_trampoline_lowered:
0x8: {  	[smem:$0x3FAE] =	sst s0  }
0x9: {  	[smem:$0x3FAF] =	sst s1  }
0xa: {  	[smem:$0x3FB0] =	sst s2  }
0xb: {  	[smem:$0x3FB1] =	sst s3  }
0xc: {  	[smem:$0x3FB2] =	sst s4  }
0xd: {  	[smem:$0x3FB3] =	sst s5  }
0xe: {  	[smem:$0x3FB4] =	sst s6  }
0xf: {  	[smem:$0x3FB5] =	sst s7  }
0x10: {  	[smem:$0x3FB6] =	sst s8  }
0x11: {  	[smem:$0x3FB7] =	sst s9;
	s0 =	simm.s32 @!p0 $0x0  }
0x12: {  	s1 =	sld [smem:$0x3F9D];
	s0 =	simm.s32 @p0 $0x1  }
0x13: {  	[smem:$0x3FB8] =	sst s0;
	s0 =	simm.s32 @!p1 $0x0  }
0x14: {  	s2 =	sld [smem:$0x3F9C];
	s0 =	simm.s32 @p1 $0x1  }
0x15: {  	[smem:$0x3FB9] =	sst s0;
	s0 =	simm.s32 @!p2 $0x0  }
0x16: {  	s3 =	sld [smem:$0x3FDB];
	s0 =	simm.s32 @p2 $0x1  }
0x17: {  	s4 =	simm.s32 $0x1BF5;
	[smem:$0x3FBB] =	sst s0  }
0x18: {  	s0 =	sld [smem:$0x3F9E];
	_ =	swait.ge [sflag:s4], $0x0  }
0x19: {  	s7 =	sld [smem:$0x3F9F]  }
0x1a: {  	s8 =	sadd.s32 $0xFFFFE003, lr  }
0x1b: {  	s9 =	sadd.s32 $0xFFFFFEF7, lr;
	s5 =	simm.s32 $0xFFFFFFFF;
	p2 =	slt.u32 s8, $0xFFFFF086  }
0x1c: {  	p1 =	slt.u32 s9, $0xF7A;
	s5 =	simm.s32 @!p2 $0x0  }
0x1d: {  	s5 =	simm.s32 @p1 $0x1;
	p0 =	seq.s32 s7, s2  }
0x1e: {  	s7 =	smul.u32 @!p0 $0xF7A, s2;
	p2 =	seq.s32 @!p0 s5, $0x0  }
0x1f: {  	s9 =	smul.u32 $0xF7A, s1;
	s8 =	simm.s32 @!p0 $0x1BF5;
	p2 =	por !p2, p0  }
0x20: {  	[sflag:s8] =	ssyncset.s32 @!p0 $0xFFFFF086;
	s6 =	sadd.s32 @!p0 s3, s7;
	s7 =	simm.s32 @!p0 $0x108  }
0x21: {  	s3 =	sadd.s32 s3, s9;
	s6 =	sadd.s32 @!p0 $0x88, s6;
	s7 =	simm.s32 @p2 $0x1082  }
0x22: {  	[simem:s7], [sflag:s8] =	dma.local @!p0 [hbm:s6], $0xF7A  }
0x23: {  	s9 =	sor.u32 $0xD0000000, s2;
	s6 =	simm.s32 $0x108;
	_ =	swait.ge @!p0 [sflag:s8], $0x0  }
0x24: {  	s3 =	sadd.s32 $0x88, s3;
	s6 =	simm.s32 @!p1 $0x1082;
	[sflag:s4] =	ssyncset.s32 $0xFFFFF086  }
0x25: {  	[simem:s6], [sflag:s4] =	dma.local [hbm:s3], $0xF7A  }
0x26: {  	[smem:$0x3F9F] =	sst s1;
	(tag) =	ssettag s2;
	_ =	strace s9  }
0x27: {  	s1 =	sld [smem:$0x3FAF]  }
0x28: {  	s2 =	sld [smem:$0x3FB0]  }
0x29: {  	s4 =	sld [smem:$0x3FB2]  }
0x2a: {  	p0 =	seq.s32 s5, $0x0;
	s5 =	sld [smem:$0x3FB3]  }
0x2b: {  	s6 =	sld [smem:$0x3FB4]  }
0x2c: {  	s7 =	sld [smem:$0x3FB5]  }
0x2d: {  	s3 =	simm.s32 $0x108;
	s8 =	sld [smem:$0x3FB6]  }
0x2e: {  	s3 =	simm.s32 @!p0 $0x1082;
	s9 =	sld [smem:$0x3FB7]  }
0x2f: {  	lr =	sadd.s32 s0, s3;
	s0 =	sld [smem:$0x3FAE]  }
0x30: {  	s3 =	sld [smem:$0x3FB1]  }
0x31: {  	[smem:$0x3FBA] =	sst s10  }
0x32: {  	s10 =	sld [smem:$0x3FB8];
	_ =	sdelay $0x3  }
0x33: {  	p0 =	seq.s32 s10, $0x1;
	s10 =	sld [smem:$0x3FBA];
	_ =	sdelay $0x3  }
0x34: {  	[smem:$0x3FBA] =	sst s10  }
0x35: {  	s10 =	sld [smem:$0x3FB9];
	_ =	sdelay $0x3  }
0x36: {  	p1 =	seq.s32 s10, $0x1;
	s10 =	sld [smem:$0x3FBA];
	_ =	sdelay $0x3  }
0x37: {  	[smem:$0x3FBA] =	sst s10  }
0x38: {  	s10 =	sld [smem:$0x3FBB]  }
0x39: {  	_ = 	snop;
	(pc) =	sbr.ind lr, $3  }
0x3a: {  	_ = 	snop  }
0x3b: {  	_ = 	snop  }
0x3c: {  	p2 =	seq.s32 s10, $0x1;
	s10 =	sld [smem:$0x3FBA]  }
0x3d: {  	_ =	shalt  }
0x3e: {  	_ =	shalt  }
0x3f: {  	_ =	shalt  }
0x40: {  	_ =	shalt  }
0x41: {  	_ =	shalt  }
0x42: {  	_ =	shalt  }
0x43: {  	_ =	shalt  }
0x44: {  	_ =	shalt  }
0x45: {  	_ =	shalt  }
0x46: {  	_ =	shalt  }
0x47: {  	_ =	shalt  }
0x48: {  	_ =	shalt  }
0x49: {  	_ =	shalt  }
0x4a: {  	_ =	shalt  }
0x4b: {  	_ =	shalt  }
0x4c: {  	_ =	shalt  }
0x4d: {  	_ =	shalt  }
0x4e: {  	_ =	shalt  }
0x4f: {  	_ =	shalt  }
0x50: {  	_ =	shalt  }
0x51: {  	_ =	shalt  }
0x52: {  	_ =	shalt  }
0x53: {  	_ =	shalt  }
0x54: {  	_ =	shalt  }
0x55: {  	_ =	shalt  }
0x56: {  	_ =	shalt  }
0x57: {  	_ =	shalt  }
0x58: {  	_ =	shalt  }
0x59: {  	_ =	shalt  }
0x5a: {  	_ =	shalt  }
0x5b: {  	_ =	shalt  }
0x5c: {  	_ =	shalt  }
0x5d: {  	_ =	shalt  }
0x5e: {  	_ =	shalt  }
0x5f: {  	_ =	shalt  }
0x60: {  	_ =	shalt  }
0x61: {  	_ =	shalt  }
0x62: {  	_ =	shalt  }
0x63: {  	_ =	shalt  }
0x64: {  	_ =	shalt  }
0x65: {  	_ =	shalt  }
0x66: {  	_ =	shalt  }
0x67: {  	_ =	shalt  }
0x68: {  	_ =	shalt  }
0x69: {  	_ =	shalt  }
0x6a: {  	_ =	shalt  }
0x6b: {  	_ =	shalt  }
0x6c: {  	_ =	shalt  }
0x6d: {  	_ =	shalt  }
0x6e: {  	_ =	shalt  }
0x6f: {  	_ =	shalt  }
0x70: {  	_ =	shalt  }
0x71: {  	_ =	shalt  }
0x72: {  	_ =	shalt  }
0x73: {  	_ =	shalt  }
0x74: {  	_ =	shalt  }
0x75: {  	_ =	shalt  }
0x76: {  	_ =	shalt  }
0x77: {  	_ =	shalt  }
0x78: {  	_ =	shalt  }
0x79: {  	_ =	shalt  }
0x7a: {  	_ =	shalt  }
0x7b: {  	_ =	shalt  }
0x7c: {  	_ =	shalt  }
0x7d: {  	_ =	shalt  }
0x7e: {  	_ =	shalt  }
0x7f: {  	_ =	shalt  }
0x80: {  	_ =	shalt  }
0x81: {  	_ =	shalt  }
0x82: {  	_ =	shalt  }
0x83: {  	_ =	shalt  }
0x84: {  	_ =	shalt  }
0x85: {  	_ =	shalt  }
0x86: {  	_ =	shalt  }
0x87: {  	_ =	shalt  }
.Lfunc_end0:
.L_simem_size_0:
called_computation_lowered:
.L_overlay_start_0:
0x88: {  	s2 =	sld [smem:$0x3FD9]  }
0x89: {  	s3 =	sld [smem:$0x3FFE];
	_ =	sdelay $0x1  }
0x8a: {  	s1 =	srdreg.scid  }
0x8b: {  	s0 =	sand.u32 $0x1, s1  }
0x8c: {  	s18 =	sshll.u32 s0, $0xA;
	s2 =	sadd.s32 s3, s2  }
0x8d: {  	s2 =	sadd.s32 s2, s18  }
0x8e: {  	[smem:$0x3FC6] =	sst s2  }
0x8f: {  	_ = 	snop  }
0x90: {  	s2 =	sld [smem:$0x3FC9]  }
0x91: {  	s19 =	sld [smem:$0x3FC8]  }
0x92: {  	s4 =	sld [smem:$0x3FD0];
	(tm) =	ssettm $0x1  }
0x93: {  	s5 =	sld [smem:$0x3FFB];
	_ =	sdelay $0x3  }
0x94: {  	_ =	strace s5  }
0x95: {  	s5 =	sld [smem:$0x3FFC];
	_ =	sdelay $0x3  }
0x96: {  	_ =	strace s5  }
0x97: {  	s5 =	sld [smem:$0x3FFD];
	_ =	sdelay $0x3  }
0x98: {  	_ =	strace s5  }
0x99: {  	_ =	strace $0x8FFFFFFF  }
0x9a: {  	s20 =	sld [smem:$0x3FDB];
	_ =	sdelay $0x1  }
0x9b: {  	s6 =	simm.s32 $_scs_section_size  }
0x9c: {  	s7 =	simm.s32 $_size__tile_overlayer_lowered;
	s8 =	simm.s32 $_tile_overlayer_lowered  }
0x9d: {  	s23 =	simm.s32 $0x1BFF;
	s22 =	sshll.u32 s8, $0x1;
	s5 =	sadd.s32 s6, s20  }
0x9e: {  	s9 =	simm.s32 $0x0;
	s21 =	sshll.u32 s7, $0x1;
	s7 =	sadd.s32 s22, s5  }
0x9f: {  	[timem:s9], [sflag:s23] =	dma.local [hbm:s7], s21  }
0xa0: {  	_ =	swait.ge [sflag:s23], s21  }
0xa1: {  	s6 =	ssub.s32 $0x0, s21;
	[sflag:s23] =	ssyncset.done $0x0  }
0xa2: {  	[sflag:s23] =	ssyncadd.s32 s6;
	_ =	sdelay $0x1  }
0xa3: {  	s24 =	simm.s32 $0x1B8B  }
0xa4: {  	_ =	swait.ge [sflag:s24], $0x1  }
0xa5: {  	[sflag:s24] =	ssyncset.done $0x0  }
0xa6: {  	s25 =	simm.s32 $0x1B8E;
	[sflag:s24] =	ssyncadd.s32 $0xFFFFFFFF  }
0xa7: {  	s26 =	simm.s32 $execute0_lowered;
	[smem:$0x3FD2] =	sst s25  }
0xa8: {  	s6 =	sshll.u32 s26, $0x1;
	_ =	strace $0x80000046;
	[dreg:$0x1] =	wrdreg $0xFFFFFFFF  }
0xa9: {  	s28 =	simm.s32 $_size_execute0_lowered;
	s5 =	sadd.s32 s5, s6;
	[dreg:$0x0] =	wrdreg $0x0  }
0xaa: {  	s6 =	sshll.u32 s28, $0x1;
	[dreg:$0x2] =	wrdreg s5  }
0xab: {  	[dreg:$0x3] =	wrdreg s6  }
0xac: {  	[dreg:$0x4] =	wrdreg $0xC0  }
0xad: {  	_ =	task [dreg:s9], $0x5FFFF  }
0xae: {  	[dreg:$0x1] =	wrdreg $0xFFFFFFFF  }
0xaf: {  	[dreg:$0x0] =	wrdreg $0x60  }
0xb0: {  	[dreg:$0x2] =	wrdreg s2  }
0xb1: {  	[dreg:$0x3] =	wrdreg s19  }
0xb2: {  	[dreg:$0x4] =	wrdreg s4  }
0xb3: {  	[dreg:$0x5] =	wrdreg $0x9  }
0xb4: {  	_ =	task.clear_ibuf [dreg:s9], $0x6FFFF;
	_ =	strace $0x90000046  }
0xb5: {  	s29 =	simm.s32 $0x9;
	_ =	strace $0x80000048  }
0xb6: {  	_ =	swait.ge [sflag:s29], $0x1  }
0xb7: {  	[sflag:s29] =	ssyncadd.s32 $0xFFFFFFFF  }
0xb8: {  	_ =	strace $0x90000048  }
0xb9: {  	_ =	sfence  }
0xba: {  	s30 =	sld [smem:$0x0];
	_ =	sdelay $0x2  }
0xbb: {  	s31 =	sshll.u32 s1, $0xD;
	s1 =	sshrl.u32 s1, $0x2  }
0xbc: {  	s3 =	sand.u32 $0x4000, s31;
	s1 =	sadd.s32 s1, s30  }
0xbd: {  	s0 =	sor.u32 s3, s0;
	s1 =	sshll.u32 s1, $0x11  }
0xbe: {  	s0 =	sor.u32 s1, s0  }
0xbf: {  	s0 =	sadd.s32 $0x8F2B, s0  }
0xc0: {  	[sflag:s0] =	ssyncadd.remote.s32 $0x1  }
0xc1: {  	_ =	sfence.sel $0xFFFF  }
0xc2: {  	[dreg:$0x0] =	wrdreg $0xFFFFFFFF;
	(pc) =	sbr.abs _section_cstart, $3  }
0xc3: {  	[dreg:$0x1] =	wrdreg $0xFFFFFFFF  }
0xc4: {  	_ =	task.clear_ibuf [dreg:s9], $0x2FFFF;
	_ =	strace $0x9FFFFFFF  }
0xc5: {  	(tm) =	ssettm $0x7FFFFFFF  }
tec
execute0_lowered:
.L_overlay_start_1:
0x0: {  	(tag) =	ssettag $0x1  }
0x1: {  	s2 =	rddreg [dreg:$0x0]  }
0x2: {  	s4 =	rddreg [dreg:$0x1]  }
0x3: {  	s5 =	rddreg [dreg:$0x2];
	s1 =	stileid.u32  }
0x4: {  	s0 =	rddreg [dreg:$0x3];
	s6 =	srdreg.scid;
	s3 =	simm.s32 $0x0  }
0x5: {  	s11 =	simm.s32 $0x8000;
	s12 =	simm.s32 $0x0;
	s7 =	sshll.u32 s1, $0x1  }
0x6: {  	s6 =	sand.u32 $0x1, s6;
	s8 =	sshll.u32 s1, $0xF;
	s7 =	sand.u32 $0x2, s7  }
0x7: {  	[smem:$0x7FF] =	sst s3;
	s8 =	sand.u32 $0x70000, s8;
	s7 =	sor.u32 s6, s7  }
0x8: {  	_ =	strace $0x80000047;
	s6 =	ssub.s32 $0x2, s6;
	s9 =	sshll.u32 s7, $0xE  }
0x9: {  	s10 =	sshrl.u32 s6, $0x1;
	s7 =	sshll.u32 s7, $0xB;
	s9 =	sor.u32 s8, s9  }
0xa: {  	s8 =	sshrl.u32 s8, $0x3;
	s10 =	ssub.s32 s6, s10;
	s9 =	sshrl.u32 s9, $0x3  }
0xb: {  	s30 =	sor.u32 s8, s7;
	s7 =	smax.u32 s10, $0x1;
	s8 =	simm.s32 $0x2000  }
0xc: {  	s10 =	simm.s32 $0x6000;
	s31 =	sadd.s32 s9, s5;
	s4 =	sadd.s32 s4, s30  }
0xd: {  	s5 =	sadd.s32 s5, s30;
	s9 =	simm.s32 $0x1;
	s6 =	sadd.s32 $0x400, s31  }
.LBB2_1:
0xe: {  	[tilespmem:s3], [sflag:$0x1] =	stream.linear.gather [hbm4b:s2+s3], $0x2000, $0x38;
	[tilespmem:$0xA000] =	vst v63  }
0xf: {  	_ = 	snop  }
0x10: {  	[tilespmem:s8], [sflag:$0x1] =	stream.linear.gather [hbm4b:s4+s3], $0x4000, $0x38;
	[tilespmem:$0xA000] =	vst v63  }
0x11: {  	_ =	swait.ge [sflag:s9], $0x2000  }
0x12: {  	[sflag:s9] =	ssyncset.done $0x0  }
0x13: {  	[sflag:s9] =	ssyncadd.s32 $0xFFFFE000  }
0x14: {  	s13 =	sand.u32 $0x1C00, s3;
	_ =	swait.ge [sflag:s9], $0x4000  }
0x15: {  	s14 =	sor.u32 s13, s3;
	[sflag:s9] =	ssyncset.done $0x0  }
0x16: {  	s15 =	sand.u32 $0x380, s3;
	s14 =	sor.u32 $0x70, s14;
	[sflag:s9] =	ssyncadd.s32 $0xFFFFC000  }
0x17: {  	s13 =	sor.u32 s15, s13;
	v1 =	vld [tilespmem:s14+$0x2000]  }
0x18: {  	v2 =	vld [tilespmem:s13+$0x2000]  }
0x19: {  	v4 =	vld [tilespmem:s13+$0x2010]  }
0x1a: {  	v8 =	vld [tilespmem:s13+$0x2020]  }
0x1b: {  	v9 =	vld [tilespmem:s13+$0x2030]  }
0x1c: {  	v5 =	vld [tilespmem:s13+$0x2040]  }
0x1d: {  	v3 =	vld [tilespmem:s13+$0x2050]  }
0x1e: {  	v0 =	vld [tilespmem:s13+$0x2060]  }
0x1f: {  	v7 =	vld.idx.msk [tilespmem:v1+s3+$0x0], $0xffff  }
0x20: {  	v6 =	vld.idx.msk [tilespmem:v2+s3+$0x0], $0xffff  }
0x21: {  	v4 =	vld.idx.msk [tilespmem:v4+s3+$0x0], $0xffff  }
0x22: {  	v1 =	vld.idx.msk [tilespmem:v8+s3+$0x0], $0xffff  }
0x23: {  	s16 =	simm.s32 $0x400;
	s17 =	simm.s32 $0x0;
	s15 =	simm.s32 $0x0;
	v2 =	vld.idx.msk [tilespmem:v9+s3+$0x0], $0xffff  }
.LBB2_2:
0x24: {  	s18 =	sand.u32 $0x1C00, s16;
	s15 =	sadd.s32 $0x8, s15;
	v5 =	vld.idx.msk [tilespmem:v5+s3+$0x0], $0xffff;
	s17 =	sadd.s32 $0x10, s17  }
0x25: {  	s19 =	sand.u32 $0x380, s17;
	s20 =	sor.u32 s18, s17;
	p0 =	slt.u32 s15, $0x1F8;
	v3 =	vld.idx.msk [tilespmem:v3+s3+$0x0], $0xffff;
	[tilespmem:s14+$0x6000] =	vst v7  }
0x26: {  	s18 =	sor.u32 s19, s18;
	s14 =	sor.u32 $0x70, s20;
	[tilespmem:s13+$0x6000] =	vst v6;
	v0 =	vld.idx.msk [tilespmem:v0+s3+$0x0], $0xffff  }
0x27: {  	v6 =	vld [tilespmem:s14+$0x2000];
	[tilespmem:s13+$0x6010] =	vst v4  }
0x28: {  	v4 =	vld [tilespmem:s18+$0x2000];
	[tilespmem:s13+$0x6020] =	vst v1  }
0x29: {  	v1 =	vld [tilespmem:s18+$0x2010];
	[tilespmem:s13+$0x6030] =	vst v2  }
0x2a: {  	v2 =	vld [tilespmem:s18+$0x2020];
	[tilespmem:s13+$0x6040] =	vst v5  }
0x2b: {  	v8 =	vld [tilespmem:s18+$0x2030];
	[tilespmem:s13+$0x6050] =	vst v3  }
0x2c: {  	v5 =	vld [tilespmem:s18+$0x2040];
	[tilespmem:s13+$0x6060] =	vst v0;
	s13 =	smov.u32 s18  }
0x2d: {  	v3 =	vld [tilespmem:s13+$0x2050]  }
0x2e: {  	v0 =	vld [tilespmem:s13+$0x2060]  }
.Ltmp0:
0x2f: {  	v7 =	vld.idx.msk [tilespmem:v6+s3+$0x0], $0xffff;
	(pc) =	sbr.rel @p0 .LBB2_2-.Ltmp0, $4  }
0x30: {  	v6 =	vld.idx.msk [tilespmem:v4+s3+$0x0], $0xffff  }
0x31: {  	v4 =	vld.idx.msk [tilespmem:v1+s3+$0x0], $0xffff  }
0x32: {  	v1 =	vld.idx.msk [tilespmem:v2+s3+$0x0], $0xffff  }
0x33: {  	s16 =	sadd.s32 $0x400, s16;
	v2 =	vld.idx.msk [tilespmem:v8+s3+$0x0], $0xffff  }
0x34: {  	_ =	sdelay $0x3  }
0x35: {  	v5 =	vld.idx.msk [tilespmem:v5+s3+$0x0], $0xffff;
	[tilespmem:s14+$0x6000] =	vst v7  }
0x36: {  	v3 =	vld.idx.msk [tilespmem:v3+s3+$0x0], $0xffff;
	[tilespmem:s13+$0x6000] =	vst v6  }
0x37: {  	v0 =	vld.idx.msk [tilespmem:v0+s3+$0x0], $0xffff;
	[tilespmem:s13+$0x6010] =	vst v4  }
0x38: {  	[tilespmem:s13+$0x6020] =	vst v1  }
0x39: {  	s14 =	simm.s32 $0x0;
	[tilespmem:s13+$0x6030] =	vst v2  }
0x3a: {  	s31 =	sand.u32 $0x1C00, s14;
	[tilespmem:s13+$0x6040] =	vst v5  }
0x3b: {  	s15 =	sor.u32 s31, s14;
	[tilespmem:s13+$0x6050] =	vst v3  }
0x3c: {  	s16 =	sand.u32 $0x380, s14;
	s15 =	sor.u32 $0x2070, s15;
	[tilespmem:s13+$0x6060] =	vst v0  }
0x3d: {  	[hbm4b:s5+s14] =	stream.linear.scatter [tilespmem:s10], [sflag:$0x1], $0x2000, $0x38;
	[tilespmem:$0xA000] =	vst v63  }
0x3e: {  	s13 =	sor.u32 s16, s31;
	v1 =	vld [tilespmem:s15+$0x2000]  }
0x3f: {  	v2 =	vld [tilespmem:s13+$0x4000]  }
0x40: {  	v4 =	vld [tilespmem:s13+$0x4010]  }
0x41: {  	v8 =	vld [tilespmem:s13+$0x4020]  }
0x42: {  	v9 =	vld [tilespmem:s13+$0x4030]  }
0x43: {  	v5 =	vld [tilespmem:s13+$0x4040]  }
0x44: {  	v3 =	vld [tilespmem:s13+$0x4050]  }
0x45: {  	v0 =	vld [tilespmem:s13+$0x4060]  }
0x46: {  	v7 =	vld.idx.msk [tilespmem:v1+s3+$0x0], $0xffff  }
0x47: {  	v6 =	vld.idx.msk [tilespmem:v2+s3+$0x0], $0xffff  }
0x48: {  	v4 =	vld.idx.msk [tilespmem:v4+s3+$0x0], $0xffff  }
0x49: {  	v1 =	vld.idx.msk [tilespmem:v8+s3+$0x0], $0xffff  }
0x4a: {  	s17 =	simm.s32 $0x400;
	s16 =	simm.s32 $0x0;
	v2 =	vld.idx.msk [tilespmem:v9+s3+$0x0], $0xffff  }
.LBB2_4:
0x4b: {  	s18 =	sand.u32 $0x1C00, s17;
	s16 =	sadd.s32 $0x8, s16;
	v5 =	vld.idx.msk [tilespmem:v5+s3+$0x0], $0xffff;
	s14 =	sadd.s32 $0x10, s14  }
0x4c: {  	s19 =	sand.u32 $0x380, s14;
	s20 =	sor.u32 s18, s14;
	p0 =	slt.u32 s16, $0x1F8;
	v3 =	vld.idx.msk [tilespmem:v3+s3+$0x0], $0xffff;
	[tilespmem:s15+$0x6000] =	vst v7  }
0x4d: {  	s18 =	sor.u32 s19, s18;
	s15 =	sor.u32 $0x2070, s20;
	[tilespmem:s13+$0x8000] =	vst v6;
	v0 =	vld.idx.msk [tilespmem:v0+s3+$0x0], $0xffff  }
0x4e: {  	v6 =	vld [tilespmem:s15+$0x2000];
	[tilespmem:s13+$0x8010] =	vst v4  }
0x4f: {  	v4 =	vld [tilespmem:s18+$0x4000];
	[tilespmem:s13+$0x8020] =	vst v1  }
0x50: {  	v1 =	vld [tilespmem:s18+$0x4010];
	[tilespmem:s13+$0x8030] =	vst v2  }
0x51: {  	v2 =	vld [tilespmem:s18+$0x4020];
	[tilespmem:s13+$0x8040] =	vst v5  }
0x52: {  	v8 =	vld [tilespmem:s18+$0x4030];
	[tilespmem:s13+$0x8050] =	vst v3  }
0x53: {  	v5 =	vld [tilespmem:s18+$0x4040];
	[tilespmem:s13+$0x8060] =	vst v0;
	s13 =	smov.u32 s18  }
0x54: {  	v3 =	vld [tilespmem:s13+$0x4050]  }
0x55: {  	v0 =	vld [tilespmem:s13+$0x4060]  }
.Ltmp1:
0x56: {  	v7 =	vld.idx.msk [tilespmem:v6+s3+$0x0], $0xffff;
	(pc) =	sbr.rel @p0 .LBB2_4-.Ltmp1, $4  }
0x57: {  	v6 =	vld.idx.msk [tilespmem:v4+s3+$0x0], $0xffff  }
0x58: {  	v4 =	vld.idx.msk [tilespmem:v1+s3+$0x0], $0xffff  }
0x59: {  	v1 =	vld.idx.msk [tilespmem:v2+s3+$0x0], $0xffff  }
0x5a: {  	s17 =	sadd.s32 $0x400, s17;
	v2 =	vld.idx.msk [tilespmem:v8+s3+$0x0], $0xffff  }
0x5b: {  	_ =	sdelay $0x3  }
0x5c: {  	v5 =	vld.idx.msk [tilespmem:v5+s3+$0x0], $0xffff;
	[tilespmem:s15+$0x6000] =	vst v7  }
0x5d: {  	v3 =	vld.idx.msk [tilespmem:v3+s3+$0x0], $0xffff;
	[tilespmem:s13+$0x8000] =	vst v6  }
0x5e: {  	v0 =	vld.idx.msk [tilespmem:v0+s3+$0x0], $0xffff;
	[tilespmem:s13+$0x8010] =	vst v4  }
0x5f: {  	[tilespmem:s13+$0x8020] =	vst v1  }
0x60: {  	[tilespmem:s13+$0x8030] =	vst v2  }
0x61: {  	[tilespmem:s13+$0x8040] =	vst v5  }
0x62: {  	[tilespmem:s13+$0x8050] =	vst v3  }
0x63: {  	s12 =	sadd.s32 $0x1, s12;
	[tilespmem:s13+$0x8060] =	vst v0  }
0x64: {  	[hbm4b:s6+s3] =	stream.linear.scatter [tilespmem:s11], [sflag:$0x1], $0x2000, $0x38;
	[tilespmem:$0xA000] =	vst v63  }
0x65: {  	p0 =	sne.s32 s12, s7;
	_ =	swait.ge [sflag:s9], $0x2000  }
.Ltmp2:
0x66: {  	[sflag:s9] =	ssyncset.done $0x0;
	(pc) =	sbr.rel @p0 .LBB2_1-.Ltmp2, $4  }
0x67: {  	[sflag:s9] =	ssyncadd.s32 $0xFFFFE000  }
0x68: {  	_ =	swait.ge [sflag:s9], $0x2000  }
0x69: {  	[sflag:s9] =	ssyncset.done $0x0  }
0x6a: {  	[sflag:s9] =	ssyncadd.s32 $0xFFFFE000  }
0x6b: {  	_ =	sfence.sel $0x180000  }
0x6c: {  	[bflag:$0x0] =	sbarrier.arrive $0xFFFF  }
0x6d: {  	p0 =	sne.s32 s1, $0x0;
	_ =	strace $0x90000047  }
0x6e: {  	s0 =	sadd.s32 @!p0 $0x100000, s0;
	[bflag:$0x2] =	sbarrier.arrive $0xFFFF  }
0x6f: {  	[sflag:s0] =	ssyncadd.tile.s32 @!p0 $0x1;
	_ =	shalt  }
.Lfunc_end2:
_tile_overlayer_lowered:
.L_overlay_start_2:
0x70: {  	(tag) =	ssettag $0x2  }
0x71: {  	s0 =	rddreg [dreg:$0x0];
	s2 =	stileid.u32  }
0x72: {  	s1 =	rddreg [dreg:$0x1];
	p0 =	sne.s32 s2, $0x0  }
0x73: {  	s3 =	rddreg [dreg:$0x2];
	[bflag:$0x3] =	sbarrier.arrive $0xFFFF;
	s2 =	simm.s32 @!p0 $0x1C02  }
0x74: {  	[timem:s3], [sflag:s2] =	dma.local @!p0 [hbm:s0], s1  }
0x75: {  	s0 =	simm.s32 @!p0 $0x2  }
0x76: {  	_ =	swait.ge @!p0 [sflag:s0], s1  }
0x77: {  	s1 =	ssub.s32 @!p0 $0x0, s1;
	[sflag:s0] =	ssyncset.done @!p0 $0x0  }
0x78: {  	[sflag:s0] =	ssyncadd.s32 @!p0 s1  }
0x79: {  	[bflag:$0x3] =	sbarrier.arrive $0xFFFF  }
0x7a: {  	_ =	shalt  }

</sc_bundles>
